<compile_context>
chip_gen: v7x
topology: tpu7x:2x2x1
jax: 0.10.2.dev20260603
libtpu: 0.0.44.dev20260713+nightly
codegen_flags: <defaults>
</compile_context>

<pallas_src>
import dataclasses
import functools

import jax
import jax.numpy as jnp
from jax import lax
from jax.experimental import pallas as pl
from jax.experimental.pallas import tpu as pltpu
from jax.experimental.pallas import tpu_sc as plsc

_NC = 2
_NS = 16
_L = 16
_NW = _NC * _NS

_COPY_BLOCK = 10000


def _copy_body(x_ref, o_ref):
    o_ref[...] = x_ref[...]


def _tc_copy(bank):
    n, d = bank.shape
    blk = _COPY_BLOCK
    assert n % blk == 0
    return pl.pallas_call(
        _copy_body,
        grid=(n // blk,),
        in_specs=[pl.BlockSpec((blk, d), lambda i: (i, 0))],
        out_specs=pl.BlockSpec((blk, d), lambda i: (i, 0)),
        out_shape=jax.ShapeDtypeStruct((n, d), bank.dtype),
    )(bank)


@functools.cache
def _make_sc_scatter(n_rows, d, b):
    w = b // _NW
    assert b % (_NW * _L) == 0

    mesh = plsc.VectorSubcoreMesh(core_axis_name="c", subcore_axis_name="s")
    cp = pltpu.CompilerParams()
    fields = pltpu.CompilerParams.__dataclass_fields__
    if "needs_layout_passes" in fields:
        cp = dataclasses.replace(cp, needs_layout_passes=False)
    if "use_tc_tiling_on_sc" in fields:
        cp = dataclasses.replace(cp, use_tc_tiling_on_sc=False)

    @functools.partial(
        pl.kernel,
        out_type=(),
        mesh=mesh,
        compiler_params=cp,
        scratch_types=[
            pltpu.VMEM((b,), jnp.int32),
            pltpu.VMEM((n_rows,), jnp.int32),
            pltpu.VMEM((w,), jnp.int32),
            pltpu.VMEM((w,), jnp.int32),
            pltpu.VMEM((w, d), jnp.float32),
            pltpu.SemaphoreType.DMA,
        ],
    )
    def sc_scatter(val_hbm, idx_hbm, out_hbm,
                   idx_buf, pos_table, win_buf, idx_win, rows_v, sem):
        iota = lax.iota(jnp.int32, _L)
        wid = lax.axis_index("s") * _NC + lax.axis_index("c")
        base = wid * w

        pltpu.sync_copy(idx_hbm, idx_buf)

        @pl.loop(0, b, step=_L)
        def _(i):
            v = idx_buf[pl.ds(i, _L)]
            plsc.store_scatter(pos_table, [v], iota + i)

        def w_cond(changed):
            return changed > 0

        def w_body(_):
            @pl.loop(0, b, step=_L, init_carry=jnp.int32(0))
            def changed(i, ch):
                v = idx_buf[pl.ds(i, _L)]
                pos = iota + i
                t = plsc.load_gather(pos_table, [v])
                m = pos > t
                plsc.store_scatter(pos_table, [v], pos, mask=m)
                return ch + jnp.sum(m.astype(jnp.int32))

            return changed

        lax.while_loop(w_cond, w_body, jnp.int32(1))

        @pl.loop(0, w, step=_L)
        def _(r):
            v = idx_buf[pl.ds(base + r, _L)]
            win_buf[pl.ds(r, _L)] = plsc.load_gather(pos_table, [v])

        pltpu.sync_copy(idx_hbm.at[pl.ds(base, w)], idx_win)
        pltpu.async_copy(val_hbm.at[win_buf], rows_v, sem).wait()
        pltpu.async_copy(rows_v, out_hbm.at[idx_win], sem).wait()

    return sc_scatter


def kernel(bank, idx, val):
    n, d = bank.shape
    out_ref = jax.new_ref(bank)
    _make_sc_scatter(n, d, idx.shape[0])(val, idx, out_ref)
    return out_ref[...]

# --- scband reference (transcript-rebuilt; emitter-appended) ---
"""Pipeline reference for scband-id-model-23768349016510 (READ-ONLY COPY).

The authoritative reference and input builder live on the scoring server;
editing this copy changes nothing except your own understanding.
"""

import jax, jax.numpy as jnp
import numpy as np

NUM_CLASSES = 100000
DIM = 64
BATCH = 4096


def setup_inputs(seed: int = 0) -> dict:
    key = jax.random.key(seed)
    k1, k2, k3 = jax.random.split(key, 3)
    # bank_init: random normal rows, L2-normalized (as in ID_Model.bank_init)
    bank = jax.random.normal(k1, (NUM_CLASSES, DIM), dtype=jnp.float32)
    norm = jnp.sqrt(jnp.sum(bank * bank, axis=-1, keepdims=True))
    bank = bank / norm
    # ys: class ids for this minibatch
    idx = jax.random.randint(k2, (BATCH,), 0, NUM_CLASSES, dtype=jnp.int64 if jax.config.jax_enable_x64 else jnp.int32).astype(jnp.int32)
    # xs: embeddings produced by the backbone for this minibatch
    val = jax.random.normal(k3, (BATCH, DIM), dtype=jnp.float32)
    return {"bank": bank, "idx": idx, "val": val}


def reference(bank, idx, val):
    # Faithful translation of ID_Model.bank_update:
    #   self.bank.scatter_nd_update(ys, xs)
    # tf scatter_nd_update is a scatter-overwrite: bank[idx[i]] = val[i]
    new_bank = bank.at[idx].set(val)
    return new_bank

if __name__ == "__main__":
    import jax
    _d = setup_inputs()
    print(jax.jit(kernel)(*tuple(_d.values())))

</pallas_src>

<mosaic_0001>
#map = affine_map<(d0, d1) -> (0, 0)>
#map1 = affine_map<(d0, d1) -> (0)>
module attributes {stable_mosaic.version = 14 : i64} {
  func.func @new_body(%arg0: i32, %arg1: i32, %arg2: memref<4096x64xf32, #tpu.memory_space<hbm>>, %arg3: memref<4096xi32, #tpu.memory_space<hbm>>, %arg4: memref<100000x64xf32, #tpu.memory_space<hbm>>, %arg5: memref<100000x64xf32, #tpu.memory_space<hbm>>, %arg6: memref<4096xi32, #tpu.memory_space<vmem>>, %arg7: memref<100000xi32, #tpu.memory_space<vmem>>, %arg8: memref<128xi32, #tpu.memory_space<vmem>>, %arg9: memref<128xi32, #tpu.memory_space<vmem>>, %arg10: memref<128x64xf32, #tpu.memory_space<vmem>>, %arg11: memref<!tpu.dma_semaphore, #tpu.memory_space<semaphore_mem>>) attributes {dimension_semantics = [#tpu.dimension_semantics<core_parallel>, #tpu.dimension_semantics<subcore_parallel>], iteration_bounds = array<i64: 2, 16>, scalar_prefetch = 0 : i64, scratch_operands = 6 : i64, tpu.core_type = #tpu.core_type<sc_vector_subcore>, window_params = [{transform_indices = #map}, {transform_indices = #map1}, {transform_indices = #map}, {transform_indices = #map}]} {
    %iota3A = tpu.iota {dimensions = array<i32: 0>} : vector<16xi32>
    %mul3A = arith.constant 2 : i32
    %mul3A_0 = arith.muli %arg1, %mul3A : i32
    %add3A = arith.addi %mul3A_0, %arg0 : i32
    %mul3A_1 = arith.constant 128 : i32
    %mul3A_2 = arith.muli %add3A, %mul3A_1 : i32
    "tpu.region"() ({
      %run_scoped3A = tpu.sem_alloc : memref<!tpu.dma_semaphore, #tpu.memory_space<semaphore_mem>>
      tpu.enqueue_dma source(%arg3 : memref<4096xi32, #tpu.memory_space<hbm>>) target(%arg6 : memref<4096xi32, #tpu.memory_space<vmem>>) target_semaphore(%run_scoped3A : memref<!tpu.dma_semaphore, #tpu.memory_space<semaphore_mem>>)
      tpu.wait_dma2 semaphore(%run_scoped3A : memref<!tpu.dma_semaphore, #tpu.memory_space<semaphore_mem>>) src(%arg3 : memref<4096xi32, #tpu.memory_space<hbm>>) dst(%arg6 : memref<4096xi32, #tpu.memory_space<vmem>>)
      tpu.yield
    }) : () -> ()
    %scan3A = arith.constant 0 : i32
    %scan3A_3 = arith.constant 256 : i32
    %scan3A_4 = arith.addi %scan3A, %scan3A_3 : i32
    %scan3A_5 = arith.constant 1 : i32
    scf.for %scan3A_23 = %scan3A to %scan3A_4 step %scan3A_5  : i32 {
      %mul3A_24 = arith.constant 16 : i32
      %mul3A_25 = arith.muli %scan3A_23, %mul3A_24 : i32
      %add3A_26 = arith.constant 0 : i32
      %add3A_27 = arith.addi %add3A_26, %mul3A_25 : i32
      %get3A = arith.index_cast %add3A_27 : i32 to index
      %get3A_28 = tpu.vector_load %arg6[%get3A] {strides = array<i32>} : memref<4096xi32, #tpu.memory_space<vmem>>, vector<16xi32>,
      %add3A_29 = vector.broadcast %add3A_27 : i32 to vector<16xi32>
      %add3A_30 = arith.addi %iota3A, %add3A_29 : vector<16xi32>
      tpu.vector_store_idx %arg7[%get3A_28], %add3A_30 : memref<100000xi32, #tpu.memory_space<vmem>>[vector<16xi32>], vector<16xi32>,
    }
    %scan3A_6 = arith.constant 256 : i32
    %while3A = arith.constant 1 : i32
    %while3A_7 = scf.while (%while3A_23 = %while3A) : (i32) -> i32 {
      %gt3A = arith.constant 0 : i32
      %gt3A_24 = arith.cmpi sgt, %while3A_23, %gt3A : i32
      scf.condition(%gt3A_24) %while3A_23 : i32
    } do {
    ^bb0(%while3A_23: i32):
      %scan3A_24 = arith.constant 0 : i32
      %scan3A_25 = arith.constant 0 : i32
      %scan3A_26 = arith.constant 256 : i32
      %scan3A_27 = arith.addi %scan3A_25, %scan3A_26 : i32
      %scan3A_28 = arith.constant 1 : i32
      %scan3A_29 = scf.for %scan3A_31 = %scan3A_25 to %scan3A_27 step %scan3A_28 iter_args(%scan3A_32 = %scan3A_24) -> (i32)  : i32 {
        %mul3A_33 = arith.constant 16 : i32
        %mul3A_34 = arith.muli %scan3A_31, %mul3A_33 : i32
        %add3A_35 = arith.constant 0 : i32
        %add3A_36 = arith.addi %add3A_35, %mul3A_34 : i32
        %get3A = arith.index_cast %add3A_36 : i32 to index
        %get3A_37 = tpu.vector_load %arg6[%get3A] {strides = array<i32>} : memref<4096xi32, #tpu.memory_space<vmem>>, vector<16xi32>,
        %add3A_38 = vector.broadcast %add3A_36 : i32 to vector<16xi32>
        %add3A_39 = arith.addi %iota3A, %add3A_38 : vector<16xi32>
        %gather3A = tpu.vector_load_idx %arg7[%get3A_37] : memref<100000xi32, #tpu.memory_space<vmem>>[vector<16xi32>], vector<16xi32>,
        %gt3A = arith.cmpi sgt, %add3A_39, %gather3A : vector<16xi32>
        tpu.vector_store_idx %arg7[%get3A_37], %add3A_39 masked %gt3A : memref<100000xi32, #tpu.memory_space<vmem>>[vector<16xi32>], vector<16xi32>, vector<16xi1>
        %convert_element_type3A = arith.extui %gt3A : vector<16xi1> to vector<16xi32>
        %reduce_sum3A = arith.constant true
        %reduce_sum3A_40 = vector.broadcast %reduce_sum3A : i1 to vector<16xi1>
        %reduce_sum3A_41 = tpu.scan <sum>, %convert_element_type3A masked %reduce_sum3A_40 : vector<16xi32>, vector<16xi1> -> vector<16xi32>
        %reduce_sum3A_42 = vector.extract %reduce_sum3A_41[15] : i32 from vector<16xi32>
        %add3A_43 = arith.addi %scan3A_32, %reduce_sum3A_42 : i32
        scf.yield %add3A_43 : i32
      }
      %scan3A_30 = arith.constant 256 : i32
      scf.yield %scan3A_29 : i32
    }
    %scan3A_8 = arith.constant 0 : i32
    %scan3A_9 = arith.constant 8 : i32
    %scan3A_10 = arith.addi %scan3A_8, %scan3A_9 : i32
    %scan3A_11 = arith.constant 1 : i32
    scf.for %scan3A_23 = %scan3A_8 to %scan3A_10 step %scan3A_11  : i32 {
      %mul3A_24 = arith.constant 16 : i32
      %mul3A_25 = arith.muli %scan3A_23, %mul3A_24 : i32
      %add3A_26 = arith.constant 0 : i32
      %add3A_27 = arith.addi %add3A_26, %mul3A_25 : i32
      %add3A_28 = arith.addi %mul3A_2, %add3A_27 : i32
      %get3A = arith.index_cast %add3A_28 : i32 to index
      %get3A_29 = tpu.vector_load %arg6[%get3A] {strides = array<i32>} : memref<4096xi32, #tpu.memory_space<vmem>>, vector<16xi32>,
      %gather3A = tpu.vector_load_idx %arg7[%get3A_29] : memref<100000xi32, #tpu.memory_space<vmem>>[vector<16xi32>], vector<16xi32>,
      %swap3A = arith.index_cast %add3A_27 : i32 to index
      %swap3A_30 = tpu.vector_load %arg8[%swap3A] {strides = array<i32>} : memref<128xi32, #tpu.memory_space<vmem>>, vector<16xi32>,
      tpu.vector_store %arg8[%swap3A], %gather3A {strides = array<i32>} : memref<128xi32, #tpu.memory_space<vmem>>, vector<16xi32>,
    }
    %scan3A_12 = arith.constant 8 : i32
    "tpu.region"() ({
      %run_scoped3A = tpu.sem_alloc : memref<!tpu.dma_semaphore, #tpu.memory_space<semaphore_mem>>
      %dma_start3A_23 = tpu.memref_slice %arg3[%mul3A_2] : memref<4096xi32, #tpu.memory_space<hbm>> -> memref<128xi32, #tpu.memory_space<hbm>>
      %dma_start3A_24 = tpu.memref_slice %arg3[%mul3A_2] : memref<4096xi32, #tpu.memory_space<hbm>> -> memref<128xi32, #tpu.memory_space<hbm>>
      tpu.enqueue_dma source(%dma_start3A_24 : memref<128xi32, #tpu.memory_space<hbm>>) target(%arg9 : memref<128xi32, #tpu.memory_space<vmem>>) target_semaphore(%run_scoped3A : memref<!tpu.dma_semaphore, #tpu.memory_space<semaphore_mem>>)
      %dma_wait3A_25 = tpu.memref_slice %arg3[%mul3A_2] : memref<4096xi32, #tpu.memory_space<hbm>> -> memref<128xi32, #tpu.memory_space<hbm>>
      %dma_wait3A_26 = tpu.memref_slice %arg3[%mul3A_2] : memref<4096xi32, #tpu.memory_space<hbm>> -> memref<128xi32, #tpu.memory_space<hbm>>
      tpu.wait_dma2 semaphore(%run_scoped3A : memref<!tpu.dma_semaphore, #tpu.memory_space<semaphore_mem>>) src(%dma_wait3A_26 : memref<128xi32, #tpu.memory_space<hbm>>) dst(%arg9 : memref<128xi32, #tpu.memory_space<vmem>>)
      tpu.yield
    }) : () -> ()
    %dma_start3A = arith.constant 0 : i32
    %dma_start3A_13 = arith.constant 0 : i32
    %dma_start3A_14 = tpu.memref_slice %arg2[%dma_start3A, %dma_start3A_13] : memref<4096x64xf32, #tpu.memory_space<hbm>> -> memref<4096x64xf32, #tpu.memory_space<hbm>>
    tpu.enqueue_indirect_dma source(%dma_start3A_14 : memref<4096x64xf32, #tpu.memory_space<hbm>>) target(%arg10 : memref<128x64xf32, #tpu.memory_space<vmem>>) offsets(%arg8 : memref<128xi32, #tpu.memory_space<vmem>>) semaphore(%arg11 : memref<!tpu.dma_semaphore, #tpu.memory_space<semaphore_mem>>)
    %dma_wait3A = arith.constant 0 : i32
    %dma_wait3A_15 = arith.constant 0 : i32
    %dma_wait3A_16 = tpu.memref_slice %arg2[%dma_wait3A, %dma_wait3A_15] : memref<4096x64xf32, #tpu.memory_space<hbm>> -> memref<4096x64xf32, #tpu.memory_space<hbm>>
    tpu.wait_indirect_dma semaphore(%arg11 : memref<!tpu.dma_semaphore, #tpu.memory_space<semaphore_mem>>) src(%dma_wait3A_16 : memref<4096x64xf32, #tpu.memory_space<hbm>>) dst(%arg10 : memref<128x64xf32, #tpu.memory_space<vmem>>)
    %dma_start3A_17 = arith.constant 0 : i32
    %dma_start3A_18 = arith.constant 0 : i32
    %dma_start3A_19 = tpu.memref_slice %arg4[%dma_start3A_17, %dma_start3A_18] : memref<100000x64xf32, #tpu.memory_space<hbm>> -> memref<100000x64xf32, #tpu.memory_space<hbm>>
    tpu.enqueue_indirect_dma source(%arg10 : memref<128x64xf32, #tpu.memory_space<vmem>>) target(%dma_start3A_19 : memref<100000x64xf32, #tpu.memory_space<hbm>>) offsets(%arg9 : memref<128xi32, #tpu.memory_space<vmem>>) semaphore(%arg11 : memref<!tpu.dma_semaphore, #tpu.memory_space<semaphore_mem>>)
    %dma_wait3A_20 = arith.constant 0 : i32
    %dma_wait3A_21 = arith.constant 0 : i32
    %dma_wait3A_22 = tpu.memref_slice %arg4[%dma_wait3A_20, %dma_wait3A_21] : memref<100000x64xf32, #tpu.memory_space<hbm>> -> memref<100000x64xf32, #tpu.memory_space<hbm>>
    tpu.wait_indirect_dma semaphore(%arg11 : memref<!tpu.dma_semaphore, #tpu.memory_space<semaphore_mem>>) src(%arg10 : memref<128x64xf32, #tpu.memory_space<vmem>>) dst(%dma_wait3A_22 : memref<100000x64xf32, #tpu.memory_space<hbm>>)
    return
  }
}

</mosaic_0001>

<sc_bundles>
// kernel: kernel.3.cloned.1.call-start
scs
__scs_entry_jumppad:
0x0: {  	(pc) =	sbr.rel $0x88, $3  }
0x1: {  	(tag) =	ssettag $0x0;
	lr =	simm.s32 $0x1  }
0x2: {  	[smem:$0x3F9E] =	sst lr;
	_ =	strace $0xD0000000  }
0x3: {  	_ = 	snop  }
0x4: {  	_ = 	snop  }
0x5: {  	_ = 	snop  }
0x6: {  	_ = 	snop  }
0x7: {  	_ = 	snop  }
__scs_overlays_trampoline_lowered:
0x8: {  	[smem:$0x3FAD] =	sst s0  }
0x9: {  	[smem:$0x3FAE] =	sst s1  }
0xa: {  	[smem:$0x3FAF] =	sst s2  }
0xb: {  	[smem:$0x3FB0] =	sst s3  }
0xc: {  	[smem:$0x3FB1] =	sst s4  }
0xd: {  	[smem:$0x3FB2] =	sst s5  }
0xe: {  	[smem:$0x3FB3] =	sst s6  }
0xf: {  	[smem:$0x3FB4] =	sst s7  }
0x10: {  	[smem:$0x3FB5] =	sst s8  }
0x11: {  	[smem:$0x3FB6] =	sst s9;
	s0 =	simm.s32 @!p0 $0x0  }
0x12: {  	s1 =	sld [smem:$0x3F9C];
	s0 =	simm.s32 @p0 $0x1  }
0x13: {  	[smem:$0x3FB7] =	sst s0;
	s0 =	simm.s32 @!p1 $0x0  }
0x14: {  	s2 =	sld [smem:$0x3F9B];
	s0 =	simm.s32 @p1 $0x1  }
0x15: {  	[smem:$0x3FB8] =	sst s0;
	s0 =	simm.s32 @!p2 $0x0  }
0x16: {  	s3 =	sld [smem:$0x3FDB];
	s0 =	simm.s32 @p2 $0x1  }
0x17: {  	s4 =	simm.s32 $0x1BF5;
	[smem:$0x3FBA] =	sst s0  }
0x18: {  	s0 =	sld [smem:$0x3F9D];
	_ =	swait.ge [sflag:s4], $0x0  }
0x19: {  	s7 =	sld [smem:$0x3F9E]  }
0x1a: {  	s8 =	sadd.s32 $0xFFFFE003, lr  }
0x1b: {  	s9 =	sadd.s32 $0xFFFFFEF7, lr;
	s5 =	simm.s32 $0xFFFFFFFF;
	p2 =	slt.u32 s8, $0xFFFFF086  }
0x1c: {  	p1 =	slt.u32 s9, $0xF7A;
	s5 =	simm.s32 @!p2 $0x0  }
0x1d: {  	s5 =	simm.s32 @p1 $0x1;
	p0 =	seq.s32 s7, s2  }
0x1e: {  	s7 =	smul.u32 @!p0 $0xF7A, s2;
	p2 =	seq.s32 @!p0 s5, $0x0  }
0x1f: {  	s9 =	smul.u32 $0xF7A, s1;
	s8 =	simm.s32 @!p0 $0x1BF5;
	p2 =	por !p2, p0  }
0x20: {  	[sflag:s8] =	ssyncset.s32 @!p0 $0xFFFFF086;
	s6 =	sadd.s32 @!p0 s3, s7;
	s7 =	simm.s32 @!p0 $0x108  }
0x21: {  	s3 =	sadd.s32 s3, s9;
	s6 =	sadd.s32 @!p0 $0x88, s6;
	s7 =	simm.s32 @p2 $0x1082  }
0x22: {  	[simem:s7], [sflag:s8] =	dma.local @!p0 [hbm:s6], $0xF7A  }
0x23: {  	s9 =	sor.u32 $0xD0000000, s2;
	s6 =	simm.s32 $0x108;
	_ =	swait.ge @!p0 [sflag:s8], $0x0  }
0x24: {  	s3 =	sadd.s32 $0x88, s3;
	s6 =	simm.s32 @!p1 $0x1082;
	[sflag:s4] =	ssyncset.s32 $0xFFFFF086  }
0x25: {  	[simem:s6], [sflag:s4] =	dma.local [hbm:s3], $0xF7A  }
0x26: {  	[smem:$0x3F9E] =	sst s1;
	(tag) =	ssettag s2;
	_ =	strace s9  }
0x27: {  	s1 =	sld [smem:$0x3FAE]  }
0x28: {  	s2 =	sld [smem:$0x3FAF]  }
0x29: {  	s4 =	sld [smem:$0x3FB1]  }
0x2a: {  	p0 =	seq.s32 s5, $0x0;
	s5 =	sld [smem:$0x3FB2]  }
0x2b: {  	s6 =	sld [smem:$0x3FB3]  }
0x2c: {  	s7 =	sld [smem:$0x3FB4]  }
0x2d: {  	s3 =	simm.s32 $0x108;
	s8 =	sld [smem:$0x3FB5]  }
0x2e: {  	s3 =	simm.s32 @!p0 $0x1082;
	s9 =	sld [smem:$0x3FB6]  }
0x2f: {  	lr =	sadd.s32 s0, s3;
	s0 =	sld [smem:$0x3FAD]  }
0x30: {  	s3 =	sld [smem:$0x3FB0]  }
0x31: {  	[smem:$0x3FB9] =	sst s10  }
0x32: {  	s10 =	sld [smem:$0x3FB7];
	_ =	sdelay $0x3  }
0x33: {  	p0 =	seq.s32 s10, $0x1;
	s10 =	sld [smem:$0x3FB9];
	_ =	sdelay $0x3  }
0x34: {  	[smem:$0x3FB9] =	sst s10  }
0x35: {  	s10 =	sld [smem:$0x3FB8];
	_ =	sdelay $0x3  }
0x36: {  	p1 =	seq.s32 s10, $0x1;
	s10 =	sld [smem:$0x3FB9];
	_ =	sdelay $0x3  }
0x37: {  	[smem:$0x3FB9] =	sst s10  }
0x38: {  	s10 =	sld [smem:$0x3FBA]  }
0x39: {  	_ = 	snop;
	(pc) =	sbr.ind lr, $3  }
0x3a: {  	_ = 	snop  }
0x3b: {  	_ = 	snop  }
0x3c: {  	p2 =	seq.s32 s10, $0x1;
	s10 =	sld [smem:$0x3FB9]  }
0x3d: {  	_ =	shalt  }
0x3e: {  	_ =	shalt  }
0x3f: {  	_ =	shalt  }
0x40: {  	_ =	shalt  }
0x41: {  	_ =	shalt  }
0x42: {  	_ =	shalt  }
0x43: {  	_ =	shalt  }
0x44: {  	_ =	shalt  }
0x45: {  	_ =	shalt  }
0x46: {  	_ =	shalt  }
0x47: {  	_ =	shalt  }
0x48: {  	_ =	shalt  }
0x49: {  	_ =	shalt  }
0x4a: {  	_ =	shalt  }
0x4b: {  	_ =	shalt  }
0x4c: {  	_ =	shalt  }
0x4d: {  	_ =	shalt  }
0x4e: {  	_ =	shalt  }
0x4f: {  	_ =	shalt  }
0x50: {  	_ =	shalt  }
0x51: {  	_ =	shalt  }
0x52: {  	_ =	shalt  }
0x53: {  	_ =	shalt  }
0x54: {  	_ =	shalt  }
0x55: {  	_ =	shalt  }
0x56: {  	_ =	shalt  }
0x57: {  	_ =	shalt  }
0x58: {  	_ =	shalt  }
0x59: {  	_ =	shalt  }
0x5a: {  	_ =	shalt  }
0x5b: {  	_ =	shalt  }
0x5c: {  	_ =	shalt  }
0x5d: {  	_ =	shalt  }
0x5e: {  	_ =	shalt  }
0x5f: {  	_ =	shalt  }
0x60: {  	_ =	shalt  }
0x61: {  	_ =	shalt  }
0x62: {  	_ =	shalt  }
0x63: {  	_ =	shalt  }
0x64: {  	_ =	shalt  }
0x65: {  	_ =	shalt  }
0x66: {  	_ =	shalt  }
0x67: {  	_ =	shalt  }
0x68: {  	_ =	shalt  }
0x69: {  	_ =	shalt  }
0x6a: {  	_ =	shalt  }
0x6b: {  	_ =	shalt  }
0x6c: {  	_ =	shalt  }
0x6d: {  	_ =	shalt  }
0x6e: {  	_ =	shalt  }
0x6f: {  	_ =	shalt  }
0x70: {  	_ =	shalt  }
0x71: {  	_ =	shalt  }
0x72: {  	_ =	shalt  }
0x73: {  	_ =	shalt  }
0x74: {  	_ =	shalt  }
0x75: {  	_ =	shalt  }
0x76: {  	_ =	shalt  }
0x77: {  	_ =	shalt  }
0x78: {  	_ =	shalt  }
0x79: {  	_ =	shalt  }
0x7a: {  	_ =	shalt  }
0x7b: {  	_ =	shalt  }
0x7c: {  	_ =	shalt  }
0x7d: {  	_ =	shalt  }
0x7e: {  	_ =	shalt  }
0x7f: {  	_ =	shalt  }
0x80: {  	_ =	shalt  }
0x81: {  	_ =	shalt  }
0x82: {  	_ =	shalt  }
0x83: {  	_ =	shalt  }
0x84: {  	_ =	shalt  }
0x85: {  	_ =	shalt  }
0x86: {  	_ =	shalt  }
0x87: {  	_ =	shalt  }
.Lfunc_end0:
.L_simem_size_0:
called_computation_lowered:
.L_overlay_start_0:
0x88: {  	s2 =	sld [smem:$0x3FD9]  }
0x89: {  	s3 =	sld [smem:$0x3FFE];
	_ =	sdelay $0x1  }
0x8a: {  	s1 =	srdreg.scid  }
0x8b: {  	s0 =	sand.u32 $0x1, s1  }
0x8c: {  	s17 =	sshll.u32 s0, $0xA;
	s2 =	sadd.s32 s3, s2  }
0x8d: {  	s2 =	sadd.s32 s2, s17  }
0x8e: {  	[smem:$0x3FC5] =	sst s2  }
0x8f: {  	_ = 	snop  }
0x90: {  	s2 =	sld [smem:$0x3FC8]  }
0x91: {  	s18 =	sld [smem:$0x3FD0];
	(tm) =	ssettm $0x1  }
0x92: {  	s4 =	sld [smem:$0x3FFB];
	_ =	sdelay $0x3  }
0x93: {  	_ =	strace s4  }
0x94: {  	s4 =	sld [smem:$0x3FFC];
	_ =	sdelay $0x3  }
0x95: {  	_ =	strace s4  }
0x96: {  	s4 =	sld [smem:$0x3FFD];
	_ =	sdelay $0x3  }
0x97: {  	_ =	strace s4  }
0x98: {  	_ =	strace $0x8FFFFFFF  }
0x99: {  	s19 =	sld [smem:$0x3FDB];
	_ =	sdelay $0x1  }
0x9a: {  	s5 =	simm.s32 $_scs_section_size  }
0x9b: {  	s6 =	simm.s32 $_size__tile_overlayer_lowered;
	s7 =	simm.s32 $_tile_overlayer_lowered  }
0x9c: {  	s22 =	simm.s32 $0x1BFF;
	s21 =	sshll.u32 s7, $0x1;
	s4 =	sadd.s32 s5, s19  }
0x9d: {  	s8 =	simm.s32 $0x0;
	s20 =	sshll.u32 s6, $0x1;
	s6 =	sadd.s32 s21, s4  }
0x9e: {  	[timem:s8], [sflag:s22] =	dma.local [hbm:s6], s20  }
0x9f: {  	_ =	swait.ge [sflag:s22], s20  }
0xa0: {  	s5 =	ssub.s32 $0x0, s20;
	[sflag:s22] =	ssyncset.done $0x0  }
0xa1: {  	[sflag:s22] =	ssyncadd.s32 s5;
	_ =	sdelay $0x1  }
0xa2: {  	s23 =	simm.s32 $0x1B8B  }
0xa3: {  	_ =	swait.ge [sflag:s23], $0x1  }
0xa4: {  	[sflag:s23] =	ssyncset.done $0x0  }
0xa5: {  	s25 =	simm.s32 $0x1B8E;
	s24 =	sld [smem:$0x3FFE];
	[sflag:s23] =	ssyncadd.s32 $0xFFFFFFFF  }
0xa6: {  	s26 =	simm.s32 $execute0_lowered;
	[smem:$0x3FD2] =	sst s25  }
0xa7: {  	s6 =	sshll.u32 s26, $0x1;
	_ =	strace $0x80000046;
	[dreg:$0x1] =	wrdreg $0xFFFFFFFF  }
0xa8: {  	s28 =	simm.s32 $_size_execute0_lowered;
	s4 =	sadd.s32 s4, s6;
	[dreg:$0x0] =	wrdreg $0x0  }
0xa9: {  	s6 =	sshll.u32 s28, $0x1;
	[dreg:$0x2] =	wrdreg s4  }
0xaa: {  	[dreg:$0x3] =	wrdreg s6  }
0xab: {  	[dreg:$0x4] =	wrdreg $0xC0  }
0xac: {  	_ =	task [dreg:s8], $0x5FFFF  }
0xad: {  	[dreg:$0x1] =	wrdreg $0xFFFFFFFF  }
0xae: {  	[dreg:$0x0] =	wrdreg $0x60  }
0xaf: {  	[dreg:$0x2] =	wrdreg s24  }
0xb0: {  	[dreg:$0x3] =	wrdreg s2  }
0xb1: {  	[dreg:$0x4] =	wrdreg s18  }
0xb2: {  	[dreg:$0x5] =	wrdreg $0x9  }
0xb3: {  	_ =	task.clear_ibuf [dreg:s8], $0x6FFFF;
	_ =	strace $0x90000046  }
0xb4: {  	s29 =	simm.s32 $0x9;
	_ =	strace $0x80000048  }
0xb5: {  	_ =	swait.ge [sflag:s29], $0x1  }
0xb6: {  	[sflag:s29] =	ssyncadd.s32 $0xFFFFFFFF  }
0xb7: {  	_ =	strace $0x90000048  }
0xb8: {  	_ =	sfence  }
0xb9: {  	s30 =	sld [smem:$0x0];
	_ =	sdelay $0x2  }
0xba: {  	s31 =	sshll.u32 s1, $0xD;
	s1 =	sshrl.u32 s1, $0x2  }
0xbb: {  	s3 =	sand.u32 $0x4000, s31;
	s1 =	sadd.s32 s1, s30  }
0xbc: {  	s0 =	sor.u32 s3, s0;
	s1 =	sshll.u32 s1, $0x11  }
0xbd: {  	s0 =	sor.u32 s1, s0  }
0xbe: {  	s0 =	sadd.s32 $0x8F2B, s0  }
0xbf: {  	[sflag:s0] =	ssyncadd.remote.s32 $0x1  }
0xc0: {  	_ =	sfence.sel $0xFFFF  }
0xc1: {  	[dreg:$0x0] =	wrdreg $0xFFFFFFFF;
	(pc) =	sbr.abs _section_cstart, $3  }
0xc2: {  	[dreg:$0x1] =	wrdreg $0xFFFFFFFF  }
0xc3: {  	_ =	task.clear_ibuf [dreg:s8], $0x2FFFF;
	_ =	strace $0x9FFFFFFF  }
0xc4: {  	(tm) =	ssettm $0x7FFFFFFF  }
0xc5: {  	_ =	shalt  }
tec
execute0_lowered:
.L_overlay_start_1:
0x0: {  	(tag) =	ssettag $0x1  }
0x1: {  	s6 =	rddreg [dreg:$0x0]  }
0x2: {  	s2 =	rddreg [dreg:$0x1]  }
0x3: {  	s3 =	rddreg [dreg:$0x2];
	s4 =	srdreg.scid  }
0x4: {  	s0 =	rddreg [dreg:$0x3];
	s1 =	stileid.u32;
	s10 =	simm.s32 $0x1000  }
0x5: {  	s11 =	simm.s32 $0x19720;
	s12 =	simm.s32 $0x80;
	s13 =	simm.s32 $0x196A0  }
0x6: {  	s14 =	simm.s32 $0x197A0;
	s15 =	simm.s32 $0x1;
	s16 =	simm.s32 $0x0  }
0x7: {  	s5 =	sand.u32 $0x1, s4;
	s4 =	simm.s32 $0x0;
	s7 =	sshll.u32 s1, $0x8  }
0x8: {  	s6 =	sadd.s32 $0x600, s6;
	s8 =	sshll.u32 s5, $0x7;
	s9 =	ssub.s32 $0x2, s5  }
0x9: {  	[smem:$0x7FF] =	sst s4;
	s5 =	sor.u32 s8, s7;
	s31 =	sshrl.u32 s9, $0x1  }
0xa: {  	_ =	strace $0x80000047;
	s8 =	sshrl.u32 s5, $0x3;
	s9 =	ssub.s32 s9, s31  }
0xb: {  	v0 =	vlaneseq.u32;
	v1 =	vimm.s32 $0x0;
	s7 =	sadd.s32 s2, s8;
	s8 =	smax.u32 s9, $0x1;
	s9 =	simm.s32 $0x2  }
.LBB2_1:
0xc: {  	[tilespmem:s4], [sflag:$0x2] =	stream.linear.gather [hbm4b:s2+s4], $0x1000, $0x38;
	[tilespmem:$0x1B7A0] =	vst v63  }
0xd: {  	_ =	swait.ge [sflag:s9], $0x1000  }
0xe: {  	[sflag:s9] =	ssyncset.done $0x0  }
0xf: {  	s17 =	simm.s32 $0x0;
	s18 =	simm.s32 $0x0;
	[sflag:s9] =	ssyncadd.s32 $0xFFFFF000  }
.LBB2_2:
0x10: {  	v2 =	vld [tilespmem:s17+$0x0];
	_ =	sdelay $0x2  }
0x11: {  	p0 =	seq.s32 s18, $0xFF0  }
.Ltmp0:
0x12: {  	_ = 	snop;
	(pc) =	sbr.rel @!p0 .LBB2_2-.Ltmp0, $3  }
0x13: {  	_ =	sdelay $0x1  }
0x14: {  	v3 =	vor.u32 s18, v0  }
0x15: {  	s17 =	sadd.s32 $0x10, s17;
	s18 =	sadd.s32 $0x10, s18;
	[tilespmem:v2+s10+$0x0] =	vst.idx.msk $0xffff, v3  }
0x16: {  	s17 =	simm.s32 $0x0;
	s18 =	simm.s32 $0x0  }
.LBB2_4:
0x17: {  	s19 =	sshll.u32 s18, $0x4  }
0x18: {  	v2 =	vld [tilespmem:s19+$0x0];
	_ =	sdelay $0x7  }
0x19: {  	v3 =	vld.idx.msk [tilespmem:v2+s10+$0x0], $0xffff;
	_ =	sdelay $0x3  }
0x1a: {  	v4 =	vor.u32 s19, v0  }
0x1b: {  	vm0 =	vgt.s32 v4, v3  }
0x1c: {  	v3 =	vsel vm0, $0x1, v1  }
0x1d: {  	(xrf0) =	vadd.scan.msk.s32 $0xffff, v3;
	_ =	sdelay $0x5  }
0x1e: {  	v3, _, _ =	vpop (xrf0)  }
0x1f: {  	(v2sf) =	vpush v3, $0xF;
	_ =	sdelay $0xe  }
0x20: {  	s18 =	sadd.s32 $0x1, s18;
	s31 =	spop (v2sf)  }
0x21: {  	p0 =	seq.s32 s18, $0x100;
	s17 =	sadd.s32 s17, s31  }
0x22: {  	p1 =	sgt.s32 @p0 s17, $0x0  }
0x23: {  	p1 =	por !p0, p1  }
.Ltmp1:
0x24: {  	_ = 	snop;
	(pc) =	sbr.rel @p1 .LBB2_4-.Ltmp1, $2  }
0x25: {  	_ =	sdelay $0x2  }
0x26: {  	s18 =	simm.s32 @p0 $0x0;
	[tilespmem:v2+s10+$0x0] =	vst.idx.msk vm0, v4;
	s17 =	simm.s32 @p0 $0x0  }
0x27: {  	v2 =	vld [tilespmem:s5+$0x0];
	_ =	sdelay $0x7  }
0x28: {  	v2 =	vld.idx.msk [tilespmem:v2+s10+$0x0], $0xffff;
	_ =	sdelay $0x4  }
0x29: {  	[tilespmem:$0x196A0] =	vst v2  }
0x2a: {  	v2 =	vld [tilespmem:s5+$0x10];
	_ =	sdelay $0x7  }
0x2b: {  	v2 =	vld.idx.msk [tilespmem:v2+s10+$0x0], $0xffff;
	_ =	sdelay $0x4  }
0x2c: {  	[tilespmem:$0x196B0] =	vst v2  }
0x2d: {  	v2 =	vld [tilespmem:s5+$0x20];
	_ =	sdelay $0x7  }
0x2e: {  	v2 =	vld.idx.msk [tilespmem:v2+s10+$0x0], $0xffff;
	_ =	sdelay $0x4  }
0x2f: {  	[tilespmem:$0x196C0] =	vst v2  }
0x30: {  	v2 =	vld [tilespmem:s5+$0x30];
	_ =	sdelay $0x7  }
0x31: {  	v2 =	vld.idx.msk [tilespmem:v2+s10+$0x0], $0xffff;
	_ =	sdelay $0x4  }
0x32: {  	[tilespmem:$0x196D0] =	vst v2  }
0x33: {  	v2 =	vld [tilespmem:s5+$0x40];
	_ =	sdelay $0x7  }
0x34: {  	v2 =	vld.idx.msk [tilespmem:v2+s10+$0x0], $0xffff;
	_ =	sdelay $0x4  }
0x35: {  	[tilespmem:$0x196E0] =	vst v2  }
0x36: {  	v2 =	vld [tilespmem:s5+$0x50];
	_ =	sdelay $0x7  }
0x37: {  	v2 =	vld.idx.msk [tilespmem:v2+s10+$0x0], $0xffff;
	_ =	sdelay $0x4  }
0x38: {  	[tilespmem:$0x196F0] =	vst v2  }
0x39: {  	v2 =	vld [tilespmem:s5+$0x60];
	_ =	sdelay $0x7  }
0x3a: {  	v2 =	vld.idx.msk [tilespmem:v2+s10+$0x0], $0xffff;
	_ =	sdelay $0x4  }
0x3b: {  	[tilespmem:$0x19700] =	vst v2  }
0x3c: {  	v2 =	vld [tilespmem:s5+$0x70];
	_ =	sdelay $0x7  }
0x3d: {  	v2 =	vld.idx.msk [tilespmem:v2+s10+$0x0], $0xffff;
	_ =	sdelay $0x4  }
0x3e: {  	[tilespmem:$0x19710] =	vst v2  }
0x3f: {  	[tilespmem:s11], [sflag:$0x2] =	stream.linear.gather [hbm4b:s7+s4], $0x80, $0x38;
	[tilespmem:$0x1B7A0] =	vst v63  }
0x40: {  	_ =	swait.ge [sflag:s9], $0x80  }
0x41: {  	[sflag:s9] =	ssyncset.done $0x0  }
0x42: {  	[sflag:s9] =	ssyncadd.s32 $0xFFFFFF80  }
0x43: {  	[tilespmem:s14], [sflag:$0x1] =	stream.indirect.gather [hbm4b:s6+s12], $0x40, s13, s12, $0xb8;
	[tilespmem:$0x1B7A0] =	vst v63  }
0x44: {  	s16 =	sadd.s32 $0x1, s16;
	_ =	swait.ge [sflag:s15], $0x2000  }
0x45: {  	p0 =	seq.s32 s16, s8;
	[sflag:s15] =	ssyncset.done $0x0  }
.Ltmp2:
0x46: {  	[sflag:s15] =	ssyncadd.s32 $0xFFFFE000;
	(pc) =	sbr.rel @!p0 .LBB2_1-.Ltmp2, $4  }
0x47: {  	[hbm4b:s3+s12] =	stream.indirect.scatter [tilespmem:s14], [sflag:$0x1], $0x40, s11, s12, $0xb8;
	[tilespmem:$0x1B7A0] =	vst v63  }
0x48: {  	_ =	swait.ge [sflag:s15], $0x2000  }
0x49: {  	[sflag:s15] =	ssyncset.done $0x0  }
0x4a: {  	[sflag:s15] =	ssyncadd.s32 $0xFFFFE000  }
0x4b: {  	_ =	sfence.sel $0x180000  }
0x4c: {  	[bflag:$0x0] =	sbarrier.arrive $0xFFFF  }
0x4d: {  	p0 =	sne.s32 s1, $0x0;
	_ =	strace $0x90000047  }
0x4e: {  	s0 =	sadd.s32 @!p0 $0x100000, s0;
	[bflag:$0x2] =	sbarrier.arrive $0xFFFF  }
0x4f: {  	[sflag:s0] =	ssyncadd.tile.s32 @!p0 $0x1;
	_ =	shalt  }
.Lfunc_end2:
_tile_overlayer_lowered:
.L_overlay_start_2:
0x50: {  	(tag) =	ssettag $0x2  }
0x51: {  	s0 =	rddreg [dreg:$0x0];
	s2 =	stileid.u32  }
0x52: {  	s1 =	rddreg [dreg:$0x1];
	p0 =	sne.s32 s2, $0x0  }
0x53: {  	s3 =	rddreg [dreg:$0x2];
	[bflag:$0x3] =	sbarrier.arrive $0xFFFF;
	s2 =	simm.s32 @!p0 $0x1C02  }
0x54: {  	[timem:s3], [sflag:s2] =	dma.local @!p0 [hbm:s0], s1  }
0x55: {  	s0 =	simm.s32 @!p0 $0x2  }
0x56: {  	_ =	swait.ge @!p0 [sflag:s0], s1  }
0x57: {  	s1 =	ssub.s32 @!p0 $0x0, s1;
	[sflag:s0] =	ssyncset.done @!p0 $0x0  }
0x58: {  	[sflag:s0] =	ssyncadd.s32 @!p0 s1  }
0x59: {  	[bflag:$0x3] =	sbarrier.arrive $0xFFFF  }
0x5a: {  	_ =	shalt  }

</sc_bundles>
